<compile_context>
chip_gen: v7x
topology: tpu7x:2x2x1
jax: 0.10.2.dev20260603
libtpu: 0.0.44.dev20260713+nightly
codegen_flags: <defaults>
</compile_context>

<pallas_src>
import functools

import jax
import jax.numpy as jnp
from jax import lax
from jax.experimental import pallas as pl
from jax.experimental.pallas import tpu as pltpu
from jax.experimental.pallas import tpu_sc as plsc

_B, _S, _ENC, _TXT = 4, 4096, 2048, 4096
_K = 64
_NCAND = 128
_TB = 512
_SB = 512
_NW = 32
_RPW = (_B * _NCAND) // _NW

_NEG_INF = float("-inf")


def _fold_kernel(w_ref, apad_ref, v_ref):
    t = pl.program_id(0)
    part = jnp.sum(w_ref[...] * apad_ref[:, :1], axis=0)

    @pl.when(t == 0)
    def _():
        v_ref[...] = jnp.zeros_like(v_ref)

    v_ref[...] += part[None, :]


def _scores_kernel(x_ref, vpad_ref, s_ref):
    y = lax.dot_general(
        x_ref[...], vpad_ref[...], (((1,), (0,)), ((), ())),
        preferred_element_type=jnp.float32, precision=lax.Precision.HIGHEST)
    s_ref[...] = y[:, :1].reshape(1, 1, _SB)


def _topk_kernel(s_ref, idx_ref):
    scores = s_ref[...]
    iota_s = lax.broadcasted_iota(jnp.int32, scores.shape, 1)
    boffs = lax.broadcasted_iota(jnp.int32, (scores.shape[0], 1), 0) * _S
    lane = lax.broadcasted_iota(jnp.int32, (scores.shape[0], _NCAND), 1)

    def body(k, carry):
        l, idxs = carry
        m = jnp.max(l, axis=1, keepdims=True)
        ism = l == m
        idx = jnp.min(jnp.where(ism, iota_s, _S), axis=1, keepdims=True)
        idxs = jnp.where(lane == k, idx + boffs, idxs)
        l = jnp.where(iota_s == idx, _NEG_INF, l)
        return l, idxs

    _, idxs = lax.fori_loop(
        0, _NCAND, body,
        (scores, jnp.zeros((scores.shape[0], _NCAND), jnp.int32)))
    idx_ref[...] = idxs


def _make_sc_gather():
    mesh = plsc.VectorSubcoreMesh(core_axis_name="c", subcore_axis_name="s")

    @functools.partial(
        pl.kernel,
        mesh=mesh,
        out_type=jax.ShapeDtypeStruct((_B * _NCAND, _ENC), jnp.float32),
        scratch_types=[
            pltpu.VMEM((_RPW,), jnp.int32),
            pltpu.VMEM((_RPW, _ENC), jnp.float32),
            pltpu.SemaphoreType.DMA,
        ],
    )
    def gather(table_hbm, idx_hbm, out_hbm, idx_v, rows_v, sem):
        wid = lax.axis_index("s") * 2 + lax.axis_index("c")
        base = wid * _RPW
        pltpu.sync_copy(idx_hbm.at[pl.ds(base, _RPW)], idx_v)
        pltpu.async_copy(table_hbm.at[idx_v], rows_v, sem).wait()
        pltpu.sync_copy(rows_v, out_hbm.at[pl.ds(base, _RPW)])

    return gather


def _project_kernel(xg_ref, w_ref, brow_ref, pc_ref):
    pc = lax.dot_general(
        xg_ref[...], w_ref[...], (((1,), (1,)), ((), ())),
        preferred_element_type=jnp.float32, precision=lax.Precision.DEFAULT)
    pc_ref[...] = pc + brow_ref[...]


def _rerank_kernel(pc_ref, apad_ref, batt_ref, out_ref):
    lc = lax.dot_general(
        pc_ref[...], apad_ref[...], (((1,), (0,)), ((), ())),
        preferred_element_type=jnp.float32, precision=lax.Precision.DEFAULT)
    l = lc[:, :1].reshape(1, _NCAND) + batt_ref[...]
    lane1 = lax.broadcasted_iota(jnp.int32, (1, _NCAND), 1)
    sio = lax.broadcasted_iota(jnp.int32, (_K, _NCAND), 0)
    lio = lax.broadcasted_iota(jnp.int32, (_K, _NCAND), 1)

    def body(k, carry):
        l, onehot = carry
        m = jnp.max(l, axis=1, keepdims=True)
        idx = jnp.min(jnp.where(l == m, lane1, _NCAND), axis=1, keepdims=True)
        onehot = jnp.where((sio == k) & (lio == idx), 1.0, onehot)
        l = jnp.where(lane1 == idx, _NEG_INF, l)
        return l, onehot

    _, onehot = lax.fori_loop(
        0, _K, body, (l, jnp.zeros((_K, _NCAND), jnp.float32)))
    y = lax.dot_general(
        onehot, pc_ref[...], (((1,), (0,)), ((), ())),
        preferred_element_type=jnp.float32, precision=lax.Precision.HIGHEST)
    out_ref[...] = y[None]


def kernel(image_features, W_proj, b_proj, W_att, b_att):
    B, S, ENC = image_features.shape
    TXT = W_proj.shape[0]
    x2 = image_features.reshape(B * S, ENC)

    apad = jnp.broadcast_to(W_att.reshape(TXT, 1), (TXT, 128))
    brow = b_proj.reshape(1, TXT)
    batt = jnp.broadcast_to(b_att.reshape(1, 1), (1, 128))

    v = pl.pallas_call(
        _fold_kernel,
        grid=(TXT // _TB,),
        in_specs=[
            pl.BlockSpec((_TB, ENC), lambda t: (t, 0)),
            pl.BlockSpec((_TB, 128), lambda t: (t, 0)),
        ],
        out_specs=pl.BlockSpec((1, ENC), lambda t: (0, 0)),
        out_shape=jax.ShapeDtypeStruct((1, ENC), jnp.float32),
    )(W_proj, apad)
    vpad = jnp.broadcast_to(v.reshape(ENC, 1), (ENC, 128))

    nsb = (B * S) // _SB
    scores = pl.pallas_call(
        _scores_kernel,
        grid=(nsb,),
        in_specs=[
            pl.BlockSpec((_SB, ENC), lambda i: (i, 0)),
            pl.BlockSpec((ENC, 128), lambda i: (0, 0)),
        ],
        out_specs=pl.BlockSpec((1, 1, _SB), lambda i: (i, 0, 0)),
        out_shape=jax.ShapeDtypeStruct((nsb, 1, _SB), jnp.float32),
    )(x2, vpad)
    scores = scores.reshape(B, S)

    gidx = pl.pallas_call(
        _topk_kernel,
        out_shape=jax.ShapeDtypeStruct((B, _NCAND), jnp.int32),
    )(scores)

    xg = _make_sc_gather()(x2, gidx.reshape(B * _NCAND))

    pc = pl.pallas_call(
        _project_kernel,
        grid=(TXT // _TB,),
        in_specs=[
            pl.BlockSpec((B * _NCAND, ENC), lambda t: (0, 0)),
            pl.BlockSpec((_TB, ENC), lambda t: (t, 0)),
            pl.BlockSpec((1, _TB), lambda t: (0, t)),
        ],
        out_specs=pl.BlockSpec((B * _NCAND, _TB), lambda t: (0, t)),
        out_shape=jax.ShapeDtypeStruct((B * _NCAND, TXT), jnp.float32),
    )(xg, W_proj, brow)

    out = pl.pallas_call(
        _rerank_kernel,
        grid=(B,),
        in_specs=[
            pl.BlockSpec((_NCAND, TXT), lambda b: (b, 0)),
            pl.BlockSpec((TXT, 128), lambda b: (0, 0)),
            pl.BlockSpec((1, 128), lambda b: (0, 0)),
        ],
        out_specs=pl.BlockSpec((1, _K, TXT), lambda b: (b, 0, 0)),
        out_shape=jax.ShapeDtypeStruct((B, _K, TXT), jnp.float32),
    )(pc, apad, batt)
    return out

# --- scband reference (transcript-rebuilt; emitter-appended) ---
"""Pipeline reference for scband-top-kattention-pooling-multi-modal-projector-39290360823872 (READ-ONLY COPY).

The authoritative reference and input builder live on the scoring server;
editing this copy changes nothing except your own understanding.
"""

import jax, jax.numpy as jnp
import numpy as np

B, S, ENC, TXT, K = 4, 4096, 2048, 4096, 64


def setup_inputs(seed: int = 0) -> dict:
    key = jax.random.key(seed)
    k1, k2, k3, k4, k5 = jax.random.split(key, 5)
    image_features = jax.random.normal(k1, (B, S, ENC), dtype=jnp.float32)
    s1 = 1.0 / np.sqrt(ENC)
    s2 = 1.0 / np.sqrt(TXT)
    W_proj = jax.random.uniform(k2, (TXT, ENC), minval=-s1, maxval=s1, dtype=jnp.float32)
    b_proj = jax.random.uniform(k3, (TXT,), minval=-s1, maxval=s1, dtype=jnp.float32)
    W_att = jax.random.uniform(k4, (1, TXT), minval=-s2, maxval=s2, dtype=jnp.float32)
    b_att = jax.random.uniform(k5, (1,), minval=-s2, maxval=s2, dtype=jnp.float32)
    return {"image_features": image_features, "W_proj": W_proj, "b_proj": b_proj, "W_att": W_att, "b_att": b_att}


def reference(image_features, W_proj, b_proj, W_att, b_att):
    # projected_features = Linear(encoder_hidden_size -> text_hidden_size)
    projected_features = jnp.einsum('bsd,td->bst', image_features, W_proj) + b_proj
    # attention_scores = softmax(Linear(text_hidden_size -> 1), dim=1)
    logits = jnp.einsum('bst,ot->bso', projected_features, W_att) + b_att  # [B, S, 1]
    attention_scores = jax.nn.softmax(logits, axis=1)
    scores = jnp.squeeze(attention_scores, axis=-1)  # [B, S]
    _, top_indices = jax.lax.top_k(scores, K)  # [B, K]
    # gather along seq dim
    top_k_hidden_states = jnp.take_along_axis(projected_features, top_indices[:, :, None], axis=1)  # [B, K, TXT]
    return top_k_hidden_states

if __name__ == "__main__":
    import jax
    _d = setup_inputs()
    print(jax.jit(kernel)(*tuple(_d.values())))

</pallas_src>

<mosaic_0001>
#map = affine_map<(d0, d1) -> (0, 0)>
#map1 = affine_map<(d0, d1) -> (0)>
module attributes {stable_mosaic.version = 14 : i64} {
  func.func @gather(%arg0: i32, %arg1: i32, %arg2: memref<16384x2048xf32, #tpu.memory_space<hbm>>, %arg3: memref<512xi32, #tpu.memory_space<hbm>>, %arg4: memref<512x2048xf32, #tpu.memory_space<hbm>>, %arg5: memref<16xi32, #tpu.memory_space<vmem>>, %arg6: memref<16x2048xf32, #tpu.memory_space<vmem>>, %arg7: memref<!tpu.dma_semaphore, #tpu.memory_space<semaphore_mem>>) attributes {dimension_semantics = [#tpu.dimension_semantics<core_parallel>, #tpu.dimension_semantics<subcore_parallel>], iteration_bounds = array<i64: 2, 16>, scalar_prefetch = 0 : i64, scratch_operands = 3 : i64, tpu.core_type = #tpu.core_type<sc_vector_subcore>, window_params = [{transform_indices = #map}, {transform_indices = #map1}, {transform_indices = #map}]} {
    %mul3A = arith.constant 2 : i32
    %mul3A_0 = arith.muli %arg1, %mul3A : i32
    %add3A = arith.addi %mul3A_0, %arg0 : i32
    %mul3A_1 = arith.constant 16 : i32
    %mul3A_2 = arith.muli %add3A, %mul3A_1 : i32
    "tpu.region"() ({
      %run_scoped3A = tpu.sem_alloc : memref<!tpu.dma_semaphore, #tpu.memory_space<semaphore_mem>>
      %dma_start3A_7 = tpu.memref_slice %arg3[%mul3A_2] : memref<512xi32, #tpu.memory_space<hbm>> -> memref<16xi32, #tpu.memory_space<hbm>>
      %dma_start3A_8 = tpu.memref_slice %arg3[%mul3A_2] : memref<512xi32, #tpu.memory_space<hbm>> -> memref<16xi32, #tpu.memory_space<hbm>>
      tpu.enqueue_dma source(%dma_start3A_8 : memref<16xi32, #tpu.memory_space<hbm>>) target(%arg5 : memref<16xi32, #tpu.memory_space<vmem>>) target_semaphore(%run_scoped3A : memref<!tpu.dma_semaphore, #tpu.memory_space<semaphore_mem>>)
      %dma_wait3A_9 = tpu.memref_slice %arg3[%mul3A_2] : memref<512xi32, #tpu.memory_space<hbm>> -> memref<16xi32, #tpu.memory_space<hbm>>
      %dma_wait3A_10 = tpu.memref_slice %arg3[%mul3A_2] : memref<512xi32, #tpu.memory_space<hbm>> -> memref<16xi32, #tpu.memory_space<hbm>>
      tpu.wait_dma2 semaphore(%run_scoped3A : memref<!tpu.dma_semaphore, #tpu.memory_space<semaphore_mem>>) src(%dma_wait3A_10 : memref<16xi32, #tpu.memory_space<hbm>>) dst(%arg5 : memref<16xi32, #tpu.memory_space<vmem>>)
      tpu.yield
    }) : () -> ()
    %dma_start3A = arith.constant 0 : i32
    %dma_start3A_3 = arith.constant 0 : i32
    %dma_start3A_4 = tpu.memref_slice %arg2[%dma_start3A, %dma_start3A_3] : memref<16384x2048xf32, #tpu.memory_space<hbm>> -> memref<16384x2048xf32, #tpu.memory_space<hbm>>
    tpu.enqueue_indirect_dma source(%dma_start3A_4 : memref<16384x2048xf32, #tpu.memory_space<hbm>>) target(%arg6 : memref<16x2048xf32, #tpu.memory_space<vmem>>) offsets(%arg5 : memref<16xi32, #tpu.memory_space<vmem>>) semaphore(%arg7 : memref<!tpu.dma_semaphore, #tpu.memory_space<semaphore_mem>>)
    %dma_wait3A = arith.constant 0 : i32
    %dma_wait3A_5 = arith.constant 0 : i32
    %dma_wait3A_6 = tpu.memref_slice %arg2[%dma_wait3A, %dma_wait3A_5] : memref<16384x2048xf32, #tpu.memory_space<hbm>> -> memref<16384x2048xf32, #tpu.memory_space<hbm>>
    tpu.wait_indirect_dma semaphore(%arg7 : memref<!tpu.dma_semaphore, #tpu.memory_space<semaphore_mem>>) src(%dma_wait3A_6 : memref<16384x2048xf32, #tpu.memory_space<hbm>>) dst(%arg6 : memref<16x2048xf32, #tpu.memory_space<vmem>>)
    "tpu.region"() ({
      %run_scoped3A = tpu.sem_alloc : memref<!tpu.dma_semaphore, #tpu.memory_space<semaphore_mem>>
      %dma_start3A_7 = arith.constant 0 : i32
      %dma_start3A_8 = tpu.memref_slice %arg4[%mul3A_2, %dma_start3A_7] : memref<512x2048xf32, #tpu.memory_space<hbm>> -> memref<16x2048xf32, #tpu.memory_space<hbm>>
      %dma_start3A_9 = arith.constant 0 : i32
      %dma_start3A_10 = tpu.memref_slice %arg4[%mul3A_2, %dma_start3A_9] : memref<512x2048xf32, #tpu.memory_space<hbm>> -> memref<16x2048xf32, #tpu.memory_space<hbm>>
      tpu.enqueue_dma source(%arg6 : memref<16x2048xf32, #tpu.memory_space<vmem>>) target(%dma_start3A_10 : memref<16x2048xf32, #tpu.memory_space<hbm>>) target_semaphore(%run_scoped3A : memref<!tpu.dma_semaphore, #tpu.memory_space<semaphore_mem>>)
      %dma_wait3A_11 = arith.constant 0 : i32
      %dma_wait3A_12 = tpu.memref_slice %arg4[%mul3A_2, %dma_wait3A_11] : memref<512x2048xf32, #tpu.memory_space<hbm>> -> memref<16x2048xf32, #tpu.memory_space<hbm>>
      %dma_wait3A_13 = arith.constant 0 : i32
      %dma_wait3A_14 = tpu.memref_slice %arg4[%mul3A_2, %dma_wait3A_13] : memref<512x2048xf32, #tpu.memory_space<hbm>> -> memref<16x2048xf32, #tpu.memory_space<hbm>>
      tpu.wait_dma2 semaphore(%run_scoped3A : memref<!tpu.dma_semaphore, #tpu.memory_space<semaphore_mem>>) src(%arg6 : memref<16x2048xf32, #tpu.memory_space<vmem>>) dst(%dma_wait3A_14 : memref<16x2048xf32, #tpu.memory_space<hbm>>)
      tpu.yield
    }) : () -> ()
    return
  }
}

module attributes {stable_mosaic.version = 14 : i64} {
  func.func @_fold_kernel(%arg0: i32, %arg1: memref<512x2048xf32, #tpu.memory_space<vmem>>, %arg2: memref<512x128xf32, #tpu.memory_space<vmem>>, %arg3: memref<1x2048xf32, #tpu.memory_space<vmem>>) attributes {dimension_semantics = [#tpu.dimension_semantics<arbitrary>], iteration_bounds = array<i64: 8>, scalar_prefetch = 0 : i64, scratch_operands = 0 : i64, tpu.core_type = #tpu.core_type<tc>, window_params = [{transform_indices = @transform_0, window_bounds = array<i64: 512, 2048>}, {transform_indices = @transform_1, window_bounds = array<i64: 512, 128>}, {pipeline_mode = #tpu.pipeline_mode<synchronous>, transform_indices = @transform_2, window_bounds = array<i64: 1, 2048>}]} {
    %get3A = arith.constant 0 : index
    %get3A_0 = arith.constant 0 : index
    %get3A_1 = vector.load %arg1[%get3A, %get3A_0] : memref<512x2048xf32, #tpu.memory_space<vmem>>, vector<512x2048xf32>
    %get3A_2 = arith.constant 0 : index
    %get3A_3 = arith.constant 0 : index
    %get3A_4 = vector.load %arg2[%get3A_2, %get3A_3] : memref<512x128xf32, #tpu.memory_space<vmem>>, vector<512x1xf32>
    %mul3A = vector.broadcast %get3A_4 : vector<512x1xf32> to vector<512x2048xf32>
    %mul3A_5 = arith.mulf %get3A_1, %mul3A : vector<512x2048xf32>
    %reduce_sum3A = arith.constant dense<0.000000e+00> : vector<2048xf32>
    %reduce_sum3A_6 = vector.multi_reduction <add>, %mul3A_5, %reduce_sum3A [0] : vector<512x2048xf32> to vector<2048xf32>
    %eq3A = arith.constant 0 : i32
    %eq3A_7 = arith.cmpi eq, %arg0, %eq3A : i32
    %convert_element_type3A = arith.extui %eq3A_7 : i1 to i32
    %cond3A = arith.constant 0 : i32
    %cond3A_8 = arith.cmpi ne, %convert_element_type3A, %cond3A : i32
    scf.if %cond3A_8 {
      %broadcast_in_dim3A_14 = arith.constant 0.000000e+00 : f32
      %broadcast_in_dim3A_15 = vector.broadcast %broadcast_in_dim3A_14 : f32 to vector<1x2048xf32>
      %swap3A_16 = arith.constant 0 : index
      %swap3A_17 = arith.constant 0 : index
      %swap3A_18 = vector.load %arg3[%swap3A_16, %swap3A_17] : memref<1x2048xf32, #tpu.memory_space<vmem>>, vector<1x2048xf32>
      tpu.vector_store %arg3[%swap3A_16, %swap3A_17], %broadcast_in_dim3A_15 {strides = array<i32>} : memref<1x2048xf32, #tpu.memory_space<vmem>>, vector<1x2048xf32>,
    } else {
    }
    %get3A_9 = arith.constant 0 : index
    %get3A_10 = arith.constant 0 : index
    %get3A_11 = vector.load %arg3[%get3A_9, %get3A_10] : memref<1x2048xf32, #tpu.memory_space<vmem>>, vector<1x2048xf32>
    %broadcast_in_dim3A = vector.shape_cast %reduce_sum3A_6 : vector<2048xf32> to vector<1x2048xf32>
    %add3A = arith.addf %get3A_11, %broadcast_in_dim3A : vector<1x2048xf32>
    %swap3A = arith.constant 0 : index
    %swap3A_12 = arith.constant 0 : index
    %swap3A_13 = vector.load %arg3[%swap3A, %swap3A_12] : memref<1x2048xf32, #tpu.memory_space<vmem>>, vector<1x2048xf32>
    tpu.vector_store %arg3[%swap3A, %swap3A_12], %add3A {strides = array<i32>} : memref<1x2048xf32, #tpu.memory_space<vmem>>, vector<1x2048xf32>,
    return
  }
  func.func @transform_0(%arg0: i32) -> (i32, i32) {
    %c0_i32 = arith.constant 0 : i32
    %c0_i32_0 = arith.constant 0 : i32
    return %arg0, %c0_i32 : i32, i32
  }
  func.func @transform_1(%arg0: i32) -> (i32, i32) {
    %c0_i32 = arith.constant 0 : i32
    %c0_i32_0 = arith.constant 0 : i32
    return %arg0, %c0_i32 : i32, i32
  }
  func.func @transform_2(%arg0: i32) -> (i32, i32) {
    %c0_i32 = arith.constant 0 : i32
    %c0_i32_0 = arith.constant 0 : i32
    %c0_i32_1 = arith.constant 0 : i32
    return %c0_i32, %c0_i32_0 : i32, i32
  }
}

module attributes {stable_mosaic.version = 14 : i64} {
  func.func @_scores_kernel(%arg0: i32, %arg1: memref<512x2048xf32, #tpu.memory_space<vmem>>, %arg2: memref<2048x128xf32, #tpu.memory_space<vmem>>, %arg3: memref<1x1x512xf32, #tpu.memory_space<vmem>>) attributes {dimension_semantics = [#tpu.dimension_semantics<arbitrary>], iteration_bounds = array<i64: 32>, scalar_prefetch = 0 : i64, scratch_operands = 0 : i64, tpu.core_type = #tpu.core_type<tc>, window_params = [{transform_indices = @transform_0, window_bounds = array<i64: 512, 2048>}, {pipeline_mode = #tpu.pipeline_mode<synchronous>, transform_indices = @transform_1, window_bounds = array<i64: 2048, 128>}, {transform_indices = @transform_2, window_bounds = array<i64: 1, 1, 512>}]} {
    %get3A = arith.constant 0 : index
    %get3A_0 = arith.constant 0 : index
    %get3A_1 = vector.load %arg1[%get3A, %get3A_0] : memref<512x2048xf32, #tpu.memory_space<vmem>>, vector<512x2048xf32>
    %get3A_2 = arith.constant 0 : index
    %get3A_3 = arith.constant 0 : index
    %get3A_4 = vector.load %arg2[%get3A_2, %get3A_3] : memref<2048x128xf32, #tpu.memory_space<vmem>>, vector<2048x128xf32>
    %dot_general3A = arith.constant dense<0.000000e+00> : vector<512x128xf32>
    %dot_general3A_5 = tpu.matmul %get3A_1, %get3A_4, %dot_general3A {dimension_numbers = #tpu.dot_dimension_numbers<[1], [0], [0], [1], [0, 0, 1, 1], [], []>, precision = #tpu.contract_precision<fp32>, transpose_lhs_hint = false} : vector<512x2048xf32>, vector<2048x128xf32>, vector<512x128xf32> -> vector<512x128xf32>
    %slice3A = vector.extract_strided_slice %dot_general3A_5 {offsets = [0, 0], sizes = [512, 1], strides = [1, 1]} : vector<512x128xf32> to vector<512x1xf32>
    %reshape3A = vector.shape_cast %slice3A : vector<512x1xf32> to vector<1x1x512xf32>
    %swap3A = arith.constant 0 : index
    %swap3A_6 = arith.constant 0 : index
    %swap3A_7 = arith.constant 0 : index
    %swap3A_8 = vector.load %arg3[%swap3A, %swap3A_6, %swap3A_7] : memref<1x1x512xf32, #tpu.memory_space<vmem>>, vector<1x1x512xf32>
    tpu.vector_store %arg3[%swap3A, %swap3A_6, %swap3A_7], %reshape3A {strides = array<i32>} : memref<1x1x512xf32, #tpu.memory_space<vmem>>, vector<1x1x512xf32>,
    return
  }
  func.func @transform_0(%arg0: i32) -> (i32, i32) {
    %c0_i32 = arith.constant 0 : i32
    %c0_i32_0 = arith.constant 0 : i32
    return %arg0, %c0_i32 : i32, i32
  }
  func.func @transform_1(%arg0: i32) -> (i32, i32) {
    %c0_i32 = arith.constant 0 : i32
    %c0_i32_0 = arith.constant 0 : i32
    %c0_i32_1 = arith.constant 0 : i32
    return %c0_i32, %c0_i32_0 : i32, i32
  }
  func.func @transform_2(%arg0: i32) -> (i32, i32, i32) {
    %c0_i32 = arith.constant 0 : i32
    %c0_i32_0 = arith.constant 0 : i32
    %c0_i32_1 = arith.constant 0 : i32
    return %arg0, %c0_i32, %c0_i32_0 : i32, i32, i32
  }
}

module attributes {stable_mosaic.version = 14 : i64} {
  func.func @_topk_kernel(%arg0: memref<4x4096xf32, #tpu.memory_space<vmem>>, %arg1: memref<4x128xi32, #tpu.memory_space<vmem>>) attributes {dimension_semantics = [], scalar_prefetch = 0 : i64, scratch_operands = 0 : i64, tpu.core_type = #tpu.core_type<tc>} {
    %get3A = arith.constant 0 : index
    %get3A_0 = arith.constant 0 : index
    %get3A_1 = vector.load %arg0[%get3A, %get3A_0] : memref<4x4096xf32, #tpu.memory_space<vmem>>, vector<4x4096xf32>
    %iota3A = tpu.iota {dimensions = array<i32: 1>} : vector<4x4096xi32>
    %iota3A_2 = tpu.iota {dimensions = array<i32: 0>} : vector<4x1xi32>
    %mul3A = arith.constant 4096 : i32
    %mul3A_3 = vector.broadcast %mul3A : i32 to vector<4x1xi32>
    %mul3A_4 = arith.muli %iota3A_2, %mul3A_3 : vector<4x1xi32>
    %iota3A_5 = tpu.iota {dimensions = array<i32: 1>} : vector<4x128xi32>
    %broadcast_in_dim3A = arith.constant 0 : i32
    %broadcast_in_dim3A_6 = vector.broadcast %broadcast_in_dim3A : i32 to vector<4x128xi32>
    %scan3A = arith.constant 0 : i32
    %scan3A_7 = arith.constant 128 : i32
    %scan3A_8 = arith.addi %scan3A, %scan3A_7 : i32
    %scan3A_9 = arith.constant 1 : i32
    %scan3A_10:2 = scf.for %scan3A_14 = %scan3A to %scan3A_8 step %scan3A_9 iter_args(%scan3A_15 = %get3A_1, %scan3A_16 = %broadcast_in_dim3A_6) -> (vector<4x4096xf32>, vector<4x128xi32>)  : i32 {
      %reduce_max3A = arith.constant dense<0xFF800000> : vector<4xf32>
      %reduce_max3A_17 = vector.multi_reduction <maximumf>, %scan3A_15, %reduce_max3A [1] : vector<4x4096xf32> to vector<4xf32>
      %broadcast_in_dim3A_18 = vector.shape_cast %reduce_max3A_17 : vector<4xf32> to vector<4x1xf32>
      %eq3A = vector.broadcast %broadcast_in_dim3A_18 : vector<4x1xf32> to vector<4x4096xf32>
      %eq3A_19 = arith.cmpf oeq, %scan3A_15, %eq3A : vector<4x4096xf32>
      %jit3A = arith.constant 4096 : i32
      %broadcast_in_dim3A_20 = vector.broadcast %jit3A : i32 to vector<4x4096xi32>
      %select_n3A = arith.select %eq3A_19, %iota3A, %broadcast_in_dim3A_20 : vector<4x4096xi1>, vector<4x4096xi32>
      %reduce_min3A = arith.constant dense<2147483647> : vector<4xi32>
      %reduce_min3A_21 = vector.multi_reduction <minsi>, %select_n3A, %reduce_min3A [1] : vector<4x4096xi32> to vector<4xi32>
      %broadcast_in_dim3A_22 = vector.shape_cast %reduce_min3A_21 : vector<4xi32> to vector<4x1xi32>
      %eq3A_23 = vector.broadcast %scan3A_14 : i32 to vector<4x128xi32>
      %eq3A_24 = arith.cmpi eq, %iota3A_5, %eq3A_23 : vector<4x128xi32>
      %add3A = arith.addi %broadcast_in_dim3A_22, %mul3A_4 : vector<4x1xi32>
      %broadcast_in_dim3A_25 = vector.shape_cast %add3A : vector<4x1xi32> to vector<4x1xi32>
      %broadcast_in_dim3A_26 = vector.broadcast %broadcast_in_dim3A_25 : vector<4x1xi32> to vector<4x128xi32>
      %select_n3A_27 = arith.select %eq3A_24, %broadcast_in_dim3A_26, %scan3A_16 : vector<4x128xi1>, vector<4x128xi32>
      %eq3A_28 = vector.broadcast %broadcast_in_dim3A_22 : vector<4x1xi32> to vector<4x4096xi32>
      %eq3A_29 = arith.cmpi eq, %iota3A, %eq3A_28 : vector<4x4096xi32>
      %jit3A_30 = arith.constant 0xFF800000 : f32
      %broadcast_in_dim3A_31 = vector.broadcast %jit3A_30 : f32 to vector<4x4096xf32>
      %select_n3A_32 = arith.select %eq3A_29, %broadcast_in_dim3A_31, %scan3A_15 : vector<4x4096xi1>, vector<4x4096xf32>
      scf.yield %select_n3A_32, %select_n3A_27 : vector<4x4096xf32>, vector<4x128xi32>
    }
    %scan3A_11 = arith.constant 128 : i32
    %swap3A = arith.constant 0 : index
    %swap3A_12 = arith.constant 0 : index
    %swap3A_13 = vector.load %arg1[%swap3A, %swap3A_12] : memref<4x128xi32, #tpu.memory_space<vmem>>, vector<4x128xi32>
    tpu.vector_store %arg1[%swap3A, %swap3A_12], %scan3A_10#1 {strides = array<i32>} : memref<4x128xi32, #tpu.memory_space<vmem>>, vector<4x128xi32>,
    return
  }
}

module attributes {stable_mosaic.version = 14 : i64} {
  func.func @_project_kernel(%arg0: i32, %arg1: memref<512x2048xf32, #tpu.memory_space<vmem>>, %arg2: memref<512x2048xf32, #tpu.memory_space<vmem>>, %arg3: memref<1x512xf32, #tpu.memory_space<vmem>>, %arg4: memref<512x512xf32, #tpu.memory_space<vmem>>) attributes {dimension_semantics = [#tpu.dimension_semantics<arbitrary>], iteration_bounds = array<i64: 8>, scalar_prefetch = 0 : i64, scratch_operands = 0 : i64, tpu.core_type = #tpu.core_type<tc>, window_params = [{pipeline_mode = #tpu.pipeline_mode<synchronous>, transform_indices = @transform_0, window_bounds = array<i64: 512, 2048>}, {transform_indices = @transform_1, window_bounds = array<i64: 512, 2048>}, {transform_indices = @transform_2, window_bounds = array<i64: 1, 512>}, {transform_indices = @transform_3, window_bounds = array<i64: 512, 512>}]} {
    %get3A = arith.constant 0 : index
    %get3A_0 = arith.constant 0 : index
    %get3A_1 = vector.load %arg1[%get3A, %get3A_0] : memref<512x2048xf32, #tpu.memory_space<vmem>>, vector<512x2048xf32>
    %get3A_2 = arith.constant 0 : index
    %get3A_3 = arith.constant 0 : index
    %get3A_4 = vector.load %arg2[%get3A_2, %get3A_3] : memref<512x2048xf32, #tpu.memory_space<vmem>>, vector<512x2048xf32>
    %dot_general3A = arith.constant dense<0.000000e+00> : vector<512x512xf32>
    %dot_general3A_5 = tpu.matmul %get3A_1, %get3A_4, %dot_general3A {dimension_numbers = #tpu.dot_dimension_numbers<[1], [1], [0], [0], [0, 0, 1, 0], [], []>, transpose_lhs_hint = false} : vector<512x2048xf32>, vector<512x2048xf32>, vector<512x512xf32> -> vector<512x512xf32>
    %get3A_6 = arith.constant 0 : index
    %get3A_7 = arith.constant 0 : index
    %get3A_8 = vector.load %arg3[%get3A_6, %get3A_7] : memref<1x512xf32, #tpu.memory_space<vmem>>, vector<1x512xf32>
    %add3A = vector.broadcast %get3A_8 : vector<1x512xf32> to vector<512x512xf32>
    %add3A_9 = arith.addf %dot_general3A_5, %add3A : vector<512x512xf32>
    %swap3A = arith.constant 0 : index
    %swap3A_10 = arith.constant 0 : index
    %swap3A_11 = vector.load %arg4[%swap3A, %swap3A_10] : memref<512x512xf32, #tpu.memory_space<vmem>>, vector<512x512xf32>
    tpu.vector_store %arg4[%swap3A, %swap3A_10], %add3A_9 {strides = array<i32>} : memref<512x512xf32, #tpu.memory_space<vmem>>, vector<512x512xf32>,
    return
  }
  func.func @transform_0(%arg0: i32) -> (i32, i32) {
    %c0_i32 = arith.constant 0 : i32
    %c0_i32_0 = arith.constant 0 : i32
    %c0_i32_1 = arith.constant 0 : i32
    return %c0_i32, %c0_i32_0 : i32, i32
  }
  func.func @transform_1(%arg0: i32) -> (i32, i32) {
    %c0_i32 = arith.constant 0 : i32
    %c0_i32_0 = arith.constant 0 : i32
    return %arg0, %c0_i32 : i32, i32
  }
  func.func @transform_2(%arg0: i32) -> (i32, i32) {
    %c0_i32 = arith.constant 0 : i32
    %c0_i32_0 = arith.constant 0 : i32
    return %c0_i32, %arg0 : i32, i32
  }
  func.func @transform_3(%arg0: i32) -> (i32, i32) {
    %c0_i32 = arith.constant 0 : i32
    %c0_i32_0 = arith.constant 0 : i32
    return %c0_i32, %arg0 : i32, i32
  }
}

module attributes {stable_mosaic.version = 14 : i64} {
  func.func @_rerank_kernel(%arg0: i32, %arg1: memref<128x4096xf32, #tpu.memory_space<vmem>>, %arg2: memref<4096x128xf32, #tpu.memory_space<vmem>>, %arg3: memref<1x128xf32, #tpu.memory_space<vmem>>, %arg4: memref<1x64x4096xf32, #tpu.memory_space<vmem>>) attributes {dimension_semantics = [#tpu.dimension_semantics<arbitrary>], iteration_bounds = array<i64: 4>, scalar_prefetch = 0 : i64, scratch_operands = 0 : i64, tpu.core_type = #tpu.core_type<tc>, window_params = [{transform_indices = @transform_0, window_bounds = array<i64: 128, 4096>}, {pipeline_mode = #tpu.pipeline_mode<synchronous>, transform_indices = @transform_1, window_bounds = array<i64: 4096, 128>}, {pipeline_mode = #tpu.pipeline_mode<synchronous>, transform_indices = @transform_2, window_bounds = array<i64: 1, 128>}, {transform_indices = @transform_3, window_bounds = array<i64: 1, 64, 4096>}]} {
    %get3A = arith.constant 0 : index
    %get3A_0 = arith.constant 0 : index
    %get3A_1 = vector.load %arg1[%get3A, %get3A_0] : memref<128x4096xf32, #tpu.memory_space<vmem>>, vector<128x4096xf32>
    %get3A_2 = arith.constant 0 : index
    %get3A_3 = arith.constant 0 : index
    %get3A_4 = vector.load %arg2[%get3A_2, %get3A_3] : memref<4096x128xf32, #tpu.memory_space<vmem>>, vector<4096x128xf32>
    %dot_general3A = arith.constant dense<0.000000e+00> : vector<128x128xf32>
    %dot_general3A_5 = tpu.matmul %get3A_1, %get3A_4, %dot_general3A {dimension_numbers = #tpu.dot_dimension_numbers<[1], [0], [0], [1], [0, 0, 1, 1], [], []>, transpose_lhs_hint = false} : vector<128x4096xf32>, vector<4096x128xf32>, vector<128x128xf32> -> vector<128x128xf32>
    %slice3A = vector.extract_strided_slice %dot_general3A_5 {offsets = [0, 0], sizes = [128, 1], strides = [1, 1]} : vector<128x128xf32> to vector<128x1xf32>
    %reshape3A = vector.shape_cast %slice3A : vector<128x1xf32> to vector<1x128xf32>
    %get3A_6 = arith.constant 0 : index
    %get3A_7 = arith.constant 0 : index
    %get3A_8 = vector.load %arg3[%get3A_6, %get3A_7] : memref<1x128xf32, #tpu.memory_space<vmem>>, vector<1x128xf32>
    %add3A = arith.addf %reshape3A, %get3A_8 : vector<1x128xf32>
    %iota3A = tpu.iota {dimensions = array<i32: 1>} : vector<1x128xi32>
    %iota3A_9 = tpu.iota {dimensions = array<i32: 0>} : vector<64x128xi32>
    %iota3A_10 = tpu.iota {dimensions = array<i32: 1>} : vector<64x128xi32>
    %broadcast_in_dim3A = arith.constant 0.000000e+00 : f32
    %broadcast_in_dim3A_11 = vector.broadcast %broadcast_in_dim3A : f32 to vector<64x128xf32>
    %scan3A = arith.constant 0 : i32
    %scan3A_12 = arith.constant 64 : i32
    %scan3A_13 = arith.addi %scan3A, %scan3A_12 : i32
    %scan3A_14 = arith.constant 1 : i32
    %scan3A_15:2 = scf.for %scan3A_26 = %scan3A to %scan3A_13 step %scan3A_14 iter_args(%scan3A_27 = %add3A, %scan3A_28 = %broadcast_in_dim3A_11) -> (vector<1x128xf32>, vector<64x128xf32>)  : i32 {
      %reduce_max3A = arith.constant dense<0xFF800000> : vector<1xf32>
      %reduce_max3A_29 = vector.multi_reduction <maximumf>, %scan3A_27, %reduce_max3A [1] : vector<1x128xf32> to vector<1xf32>
      %broadcast_in_dim3A_30 = vector.shape_cast %reduce_max3A_29 : vector<1xf32> to vector<1x1xf32>
      %eq3A = vector.broadcast %broadcast_in_dim3A_30 : vector<1x1xf32> to vector<1x128xf32>
      %eq3A_31 = arith.cmpf oeq, %scan3A_27, %eq3A : vector<1x128xf32>
      %jit3A = arith.constant 128 : i32
      %broadcast_in_dim3A_32 = vector.broadcast %jit3A : i32 to vector<1x128xi32>
      %select_n3A = arith.select %eq3A_31, %iota3A, %broadcast_in_dim3A_32 : vector<1x128xi1>, vector<1x128xi32>
      %reduce_min3A = arith.constant dense<2147483647> : vector<1xi32>
      %reduce_min3A_33 = vector.multi_reduction <minsi>, %select_n3A, %reduce_min3A [1] : vector<1x128xi32> to vector<1xi32>
      %broadcast_in_dim3A_34 = vector.shape_cast %reduce_min3A_33 : vector<1xi32> to vector<1x1xi32>
      %eq3A_35 = vector.broadcast %scan3A_26 : i32 to vector<64x128xi32>
      %eq3A_36 = arith.cmpi eq, %iota3A_9, %eq3A_35 : vector<64x128xi32>
      %eq3A_37 = vector.broadcast %broadcast_in_dim3A_34 : vector<1x1xi32> to vector<64x128xi32>
      %eq3A_38 = arith.cmpi eq, %iota3A_10, %eq3A_37 : vector<64x128xi32>
      %and3A = arith.andi %eq3A_36, %eq3A_38 : vector<64x128xi1>
      %jit3A_39 = arith.constant 1.000000e+00 : f32
      %broadcast_in_dim3A_40 = vector.broadcast %jit3A_39 : f32 to vector<64x128xf32>
      %select_n3A_41 = arith.select %and3A, %broadcast_in_dim3A_40, %scan3A_28 : vector<64x128xi1>, vector<64x128xf32>
      %eq3A_42 = vector.broadcast %broadcast_in_dim3A_34 : vector<1x1xi32> to vector<1x128xi32>
      %eq3A_43 = arith.cmpi eq, %iota3A, %eq3A_42 : vector<1x128xi32>
      %jit3A_44 = arith.constant 0xFF800000 : f32
      %broadcast_in_dim3A_45 = vector.broadcast %jit3A_44 : f32 to vector<1x128xf32>
      %select_n3A_46 = arith.select %eq3A_43, %broadcast_in_dim3A_45, %scan3A_27 : vector<1x128xi1>, vector<1x128xf32>
      scf.yield %select_n3A_46, %select_n3A_41 : vector<1x128xf32>, vector<64x128xf32>
    }
    %scan3A_16 = arith.constant 64 : i32
    %get3A_17 = arith.constant 0 : index
    %get3A_18 = arith.constant 0 : index
    %get3A_19 = vector.load %arg1[%get3A_17, %get3A_18] : memref<128x4096xf32, #tpu.memory_space<vmem>>, vector<128x4096xf32>
    %dot_general3A_20 = arith.constant dense<0.000000e+00> : vector<64x4096xf32>
    %dot_general3A_21 = tpu.matmul %scan3A_15#1, %get3A_19, %dot_general3A_20 {dimension_numbers = #tpu.dot_dimension_numbers<[1], [0], [0], [1], [0, 0, 1, 1], [], []>, precision = #tpu.contract_precision<fp32>, transpose_lhs_hint = false} : vector<64x128xf32>, vector<128x4096xf32>, vector<64x4096xf32> -> vector<64x4096xf32>
    %broadcast_in_dim3A_22 = vector.shape_cast %dot_general3A_21 : vector<64x4096xf32> to vector<1x64x4096xf32>
    %swap3A = arith.constant 0 : index
    %swap3A_23 = arith.constant 0 : index
    %swap3A_24 = arith.constant 0 : index
    %swap3A_25 = vector.load %arg4[%swap3A, %swap3A_23, %swap3A_24] : memref<1x64x4096xf32, #tpu.memory_space<vmem>>, vector<1x64x4096xf32>
    tpu.vector_store %arg4[%swap3A, %swap3A_23, %swap3A_24], %broadcast_in_dim3A_22 {strides = array<i32>} : memref<1x64x4096xf32, #tpu.memory_space<vmem>>, vector<1x64x4096xf32>,
    return
  }
  func.func @transform_0(%arg0: i32) -> (i32, i32) {
    %c0_i32 = arith.constant 0 : i32
    %c0_i32_0 = arith.constant 0 : i32
    return %arg0, %c0_i32 : i32, i32
  }
  func.func @transform_1(%arg0: i32) -> (i32, i32) {
    %c0_i32 = arith.constant 0 : i32
    %c0_i32_0 = arith.constant 0 : i32
    %c0_i32_1 = arith.constant 0 : i32
    return %c0_i32, %c0_i32_0 : i32, i32
  }
  func.func @transform_2(%arg0: i32) -> (i32, i32) {
    %c0_i32 = arith.constant 0 : i32
    %c0_i32_0 = arith.constant 0 : i32
    %c0_i32_1 = arith.constant 0 : i32
    return %c0_i32, %c0_i32_0 : i32, i32
  }
  func.func @transform_3(%arg0: i32) -> (i32, i32, i32) {
    %c0_i32 = arith.constant 0 : i32
    %c0_i32_0 = arith.constant 0 : i32
    %c0_i32_1 = arith.constant 0 : i32
    return %arg0, %c0_i32, %c0_i32_0 : i32, i32, i32
  }
}

</mosaic_0001>

<sc_bundles>
// kernel: kernel.8.cloned.1.call-start
scs
__scs_entry_jumppad:
0x0: {  	(pc) =	sbr.rel $0x88, $3  }
0x1: {  	(tag) =	ssettag $0x0;
	lr =	simm.s32 $0x1  }
0x2: {  	[smem:$0x3F9C] =	sst lr;
	_ =	strace $0xD0000000  }
0x3: {  	_ = 	snop  }
0x4: {  	_ = 	snop  }
0x5: {  	_ = 	snop  }
0x6: {  	_ = 	snop  }
0x7: {  	_ = 	snop  }
__scs_overlays_trampoline_lowered:
0x8: {  	[smem:$0x3FAB] =	sst s0  }
0x9: {  	[smem:$0x3FAC] =	sst s1  }
0xa: {  	[smem:$0x3FAD] =	sst s2  }
0xb: {  	[smem:$0x3FAE] =	sst s3  }
0xc: {  	[smem:$0x3FAF] =	sst s4  }
0xd: {  	[smem:$0x3FB0] =	sst s5  }
0xe: {  	[smem:$0x3FB1] =	sst s6  }
0xf: {  	[smem:$0x3FB2] =	sst s7  }
0x10: {  	[smem:$0x3FB3] =	sst s8  }
0x11: {  	[smem:$0x3FB4] =	sst s9;
	s0 =	simm.s32 @!p0 $0x0  }
0x12: {  	s1 =	sld [smem:$0x3F9A];
	s0 =	simm.s32 @p0 $0x1  }
0x13: {  	[smem:$0x3FB5] =	sst s0;
	s0 =	simm.s32 @!p1 $0x0  }
0x14: {  	s2 =	sld [smem:$0x3F99];
	s0 =	simm.s32 @p1 $0x1  }
0x15: {  	[smem:$0x3FB6] =	sst s0;
	s0 =	simm.s32 @!p2 $0x0  }
0x16: {  	s3 =	sld [smem:$0x3FDB];
	s0 =	simm.s32 @p2 $0x1  }
0x17: {  	s4 =	simm.s32 $0x1BF5;
	[smem:$0x3FB8] =	sst s0  }
0x18: {  	s0 =	sld [smem:$0x3F9B];
	_ =	swait.ge [sflag:s4], $0x0  }
0x19: {  	s7 =	sld [smem:$0x3F9C]  }
0x1a: {  	s8 =	sadd.s32 $0xFFFFE003, lr  }
0x1b: {  	s9 =	sadd.s32 $0xFFFFFEF7, lr;
	s5 =	simm.s32 $0xFFFFFFFF;
	p2 =	slt.u32 s8, $0xFFFFF086  }
0x1c: {  	p1 =	slt.u32 s9, $0xF7A;
	s5 =	simm.s32 @!p2 $0x0  }
0x1d: {  	s5 =	simm.s32 @p1 $0x1;
	p0 =	seq.s32 s7, s2  }
0x1e: {  	s7 =	smul.u32 @!p0 $0xF7A, s2;
	p2 =	seq.s32 @!p0 s5, $0x0  }
0x1f: {  	s9 =	smul.u32 $0xF7A, s1;
	s8 =	simm.s32 @!p0 $0x1BF5;
	p2 =	por !p2, p0  }
0x20: {  	[sflag:s8] =	ssyncset.s32 @!p0 $0xFFFFF086;
	s6 =	sadd.s32 @!p0 s3, s7;
	s7 =	simm.s32 @!p0 $0x108  }
0x21: {  	s3 =	sadd.s32 s3, s9;
	s6 =	sadd.s32 @!p0 $0x88, s6;
	s7 =	simm.s32 @p2 $0x1082  }
0x22: {  	[simem:s7], [sflag:s8] =	dma.local @!p0 [hbm:s6], $0xF7A  }
0x23: {  	s9 =	sor.u32 $0xD0000000, s2;
	s6 =	simm.s32 $0x108;
	_ =	swait.ge @!p0 [sflag:s8], $0x0  }
0x24: {  	s3 =	sadd.s32 $0x88, s3;
	s6 =	simm.s32 @!p1 $0x1082;
	[sflag:s4] =	ssyncset.s32 $0xFFFFF086  }
0x25: {  	[simem:s6], [sflag:s4] =	dma.local [hbm:s3], $0xF7A  }
0x26: {  	[smem:$0x3F9C] =	sst s1;
	(tag) =	ssettag s2;
	_ =	strace s9  }
0x27: {  	s1 =	sld [smem:$0x3FAC]  }
0x28: {  	s2 =	sld [smem:$0x3FAD]  }
0x29: {  	s4 =	sld [smem:$0x3FAF]  }
0x2a: {  	p0 =	seq.s32 s5, $0x0;
	s5 =	sld [smem:$0x3FB0]  }
0x2b: {  	s6 =	sld [smem:$0x3FB1]  }
0x2c: {  	s7 =	sld [smem:$0x3FB2]  }
0x2d: {  	s3 =	simm.s32 $0x108;
	s8 =	sld [smem:$0x3FB3]  }
0x2e: {  	s3 =	simm.s32 @!p0 $0x1082;
	s9 =	sld [smem:$0x3FB4]  }
0x2f: {  	lr =	sadd.s32 s0, s3;
	s0 =	sld [smem:$0x3FAB]  }
0x30: {  	s3 =	sld [smem:$0x3FAE]  }
0x31: {  	[smem:$0x3FB7] =	sst s10  }
0x32: {  	s10 =	sld [smem:$0x3FB5];
	_ =	sdelay $0x3  }
0x33: {  	p0 =	seq.s32 s10, $0x1;
	s10 =	sld [smem:$0x3FB7];
	_ =	sdelay $0x3  }
0x34: {  	[smem:$0x3FB7] =	sst s10  }
0x35: {  	s10 =	sld [smem:$0x3FB6];
	_ =	sdelay $0x3  }
0x36: {  	p1 =	seq.s32 s10, $0x1;
	s10 =	sld [smem:$0x3FB7];
	_ =	sdelay $0x3  }
0x37: {  	[smem:$0x3FB7] =	sst s10  }
0x38: {  	s10 =	sld [smem:$0x3FB8]  }
0x39: {  	_ = 	snop;
	(pc) =	sbr.ind lr, $3  }
0x3a: {  	_ = 	snop  }
0x3b: {  	_ = 	snop  }
0x3c: {  	p2 =	seq.s32 s10, $0x1;
	s10 =	sld [smem:$0x3FB7]  }
0x3d: {  	_ =	shalt  }
0x3e: {  	_ =	shalt  }
0x3f: {  	_ =	shalt  }
0x40: {  	_ =	shalt  }
0x41: {  	_ =	shalt  }
0x42: {  	_ =	shalt  }
0x43: {  	_ =	shalt  }
0x44: {  	_ =	shalt  }
0x45: {  	_ =	shalt  }
0x46: {  	_ =	shalt  }
0x47: {  	_ =	shalt  }
0x48: {  	_ =	shalt  }
0x49: {  	_ =	shalt  }
0x4a: {  	_ =	shalt  }
0x4b: {  	_ =	shalt  }
0x4c: {  	_ =	shalt  }
0x4d: {  	_ =	shalt  }
0x4e: {  	_ =	shalt  }
0x4f: {  	_ =	shalt  }
0x50: {  	_ =	shalt  }
0x51: {  	_ =	shalt  }
0x52: {  	_ =	shalt  }
0x53: {  	_ =	shalt  }
0x54: {  	_ =	shalt  }
0x55: {  	_ =	shalt  }
0x56: {  	_ =	shalt  }
0x57: {  	_ =	shalt  }
0x58: {  	_ =	shalt  }
0x59: {  	_ =	shalt  }
0x5a: {  	_ =	shalt  }
0x5b: {  	_ =	shalt  }
0x5c: {  	_ =	shalt  }
0x5d: {  	_ =	shalt  }
0x5e: {  	_ =	shalt  }
0x5f: {  	_ =	shalt  }
0x60: {  	_ =	shalt  }
0x61: {  	_ =	shalt  }
0x62: {  	_ =	shalt  }
0x63: {  	_ =	shalt  }
0x64: {  	_ =	shalt  }
0x65: {  	_ =	shalt  }
0x66: {  	_ =	shalt  }
0x67: {  	_ =	shalt  }
0x68: {  	_ =	shalt  }
0x69: {  	_ =	shalt  }
0x6a: {  	_ =	shalt  }
0x6b: {  	_ =	shalt  }
0x6c: {  	_ =	shalt  }
0x6d: {  	_ =	shalt  }
0x6e: {  	_ =	shalt  }
0x6f: {  	_ =	shalt  }
0x70: {  	_ =	shalt  }
0x71: {  	_ =	shalt  }
0x72: {  	_ =	shalt  }
0x73: {  	_ =	shalt  }
0x74: {  	_ =	shalt  }
0x75: {  	_ =	shalt  }
0x76: {  	_ =	shalt  }
0x77: {  	_ =	shalt  }
0x78: {  	_ =	shalt  }
0x79: {  	_ =	shalt  }
0x7a: {  	_ =	shalt  }
0x7b: {  	_ =	shalt  }
0x7c: {  	_ =	shalt  }
0x7d: {  	_ =	shalt  }
0x7e: {  	_ =	shalt  }
0x7f: {  	_ =	shalt  }
0x80: {  	_ =	shalt  }
0x81: {  	_ =	shalt  }
0x82: {  	_ =	shalt  }
0x83: {  	_ =	shalt  }
0x84: {  	_ =	shalt  }
0x85: {  	_ =	shalt  }
0x86: {  	_ =	shalt  }
0x87: {  	_ =	shalt  }
.Lfunc_end0:
.L_simem_size_0:
called_computation_lowered:
.L_overlay_start_0:
0x88: {  	s2 =	sld [smem:$0x3FD9]  }
0x89: {  	s3 =	sld [smem:$0x3FFE];
	_ =	sdelay $0x1  }
0x8a: {  	s1 =	srdreg.scid  }
0x8b: {  	s0 =	sand.u32 $0x1, s1  }
0x8c: {  	s17 =	sshll.u32 s0, $0xA;
	s2 =	sadd.s32 s3, s2  }
0x8d: {  	s2 =	sadd.s32 s2, s17  }
0x8e: {  	[smem:$0x3FC3] =	sst s2  }
0x8f: {  	_ = 	snop  }
0x90: {  	s2 =	sld [smem:$0x3FC9]  }
0x91: {  	s18 =	sld [smem:$0x3FD0];
	(tm) =	ssettm $0x1  }
0x92: {  	s4 =	sld [smem:$0x3FFB];
	_ =	sdelay $0x3  }
0x93: {  	_ =	strace s4  }
0x94: {  	s4 =	sld [smem:$0x3FFC];
	_ =	sdelay $0x3  }
0x95: {  	_ =	strace s4  }
0x96: {  	s4 =	sld [smem:$0x3FFD];
	_ =	sdelay $0x3  }
0x97: {  	_ =	strace s4  }
0x98: {  	_ =	strace $0x8FFFFFFF  }
0x99: {  	s19 =	sld [smem:$0x3FDB];
	_ =	sdelay $0x1  }
0x9a: {  	s5 =	simm.s32 $_scs_section_size  }
0x9b: {  	s6 =	simm.s32 $_size__tile_overlayer_lowered;
	s7 =	simm.s32 $_tile_overlayer_lowered  }
0x9c: {  	s22 =	simm.s32 $0x1BFF;
	s21 =	sshll.u32 s7, $0x1;
	s4 =	sadd.s32 s5, s19  }
0x9d: {  	s8 =	simm.s32 $0x0;
	s20 =	sshll.u32 s6, $0x1;
	s6 =	sadd.s32 s21, s4  }
0x9e: {  	[timem:s8], [sflag:s22] =	dma.local [hbm:s6], s20  }
0x9f: {  	_ =	swait.ge [sflag:s22], s20  }
0xa0: {  	s5 =	ssub.s32 $0x0, s20;
	[sflag:s22] =	ssyncset.done $0x0  }
0xa1: {  	[sflag:s22] =	ssyncadd.s32 s5;
	_ =	sdelay $0x1  }
0xa2: {  	s23 =	simm.s32 $0x1B8B  }
0xa3: {  	_ =	swait.ge [sflag:s23], $0x1  }
0xa4: {  	[sflag:s23] =	ssyncset.done $0x0  }
0xa5: {  	s25 =	simm.s32 $0x1B8E;
	s24 =	sld [smem:$0x3FFE];
	[sflag:s23] =	ssyncadd.s32 $0xFFFFFFFF  }
0xa6: {  	s26 =	simm.s32 $execute0_lowered;
	[smem:$0x3FD2] =	sst s25  }
0xa7: {  	s6 =	sshll.u32 s26, $0x1;
	_ =	strace $0x80000046;
	[dreg:$0x1] =	wrdreg $0xFFFFFFFF  }
0xa8: {  	s28 =	simm.s32 $_size_execute0_lowered;
	s4 =	sadd.s32 s4, s6;
	[dreg:$0x0] =	wrdreg $0x0  }
0xa9: {  	s6 =	sshll.u32 s28, $0x1;
	[dreg:$0x2] =	wrdreg s4  }
0xaa: {  	[dreg:$0x3] =	wrdreg s6  }
0xab: {  	[dreg:$0x4] =	wrdreg $0xC0  }
0xac: {  	_ =	task [dreg:s8], $0x5FFFF  }
0xad: {  	[dreg:$0x1] =	wrdreg $0xFFFFFFFF  }
0xae: {  	[dreg:$0x0] =	wrdreg $0x60  }
0xaf: {  	[dreg:$0x2] =	wrdreg s2  }
0xb0: {  	[dreg:$0x3] =	wrdreg s24  }
0xb1: {  	[dreg:$0x4] =	wrdreg s18  }
0xb2: {  	[dreg:$0x5] =	wrdreg $0x9  }
0xb3: {  	_ =	task.clear_ibuf [dreg:s8], $0x6FFFF;
	_ =	strace $0x90000046  }
0xb4: {  	s29 =	simm.s32 $0x9;
	_ =	strace $0x80000048  }
0xb5: {  	_ =	swait.ge [sflag:s29], $0x1  }
0xb6: {  	[sflag:s29] =	ssyncadd.s32 $0xFFFFFFFF  }
0xb7: {  	_ =	strace $0x90000048  }
0xb8: {  	_ =	sfence  }
0xb9: {  	s30 =	sld [smem:$0x0];
	_ =	sdelay $0x2  }
0xba: {  	s31 =	sshll.u32 s1, $0xD;
	s1 =	sshrl.u32 s1, $0x2  }
0xbb: {  	s3 =	sand.u32 $0x4000, s31;
	s1 =	sadd.s32 s1, s30  }
0xbc: {  	s0 =	sor.u32 s3, s0;
	s1 =	sshll.u32 s1, $0x11  }
0xbd: {  	s0 =	sor.u32 s1, s0  }
0xbe: {  	s0 =	sadd.s32 $0x8F2B, s0  }
0xbf: {  	[sflag:s0] =	ssyncadd.remote.s32 $0x1  }
0xc0: {  	_ =	sfence.sel $0xFFFF  }
0xc1: {  	[dreg:$0x0] =	wrdreg $0xFFFFFFFF;
	(pc) =	sbr.abs _section_cstart, $3  }
0xc2: {  	[dreg:$0x1] =	wrdreg $0xFFFFFFFF  }
0xc3: {  	_ =	task.clear_ibuf [dreg:s8], $0x2FFFF;
	_ =	strace $0x9FFFFFFF  }
0xc4: {  	(tm) =	ssettm $0x7FFFFFFF  }
0xc5: {  	_ =	shalt  }
tec
execute0_lowered:
.L_overlay_start_1:
0x0: {  	(tag) =	ssettag $0x1  }
0x1: {  	s3 =	rddreg [dreg:$0x0];
	s1 =	srdreg.scid  }
0x2: {  	s4 =	rddreg [dreg:$0x1];
	s0 =	stileid.u32  }
0x3: {  	s5 =	rddreg [dreg:$0x2];
	s21 =	simm.s32 $0x880;
	s22 =	simm.s32 $0x1080  }
0x4: {  	s23 =	simm.s32 $0x1880;
	s24 =	simm.s32 $0x2080;
	s20 =	simm.s32 $0x2880  }
0x5: {  	s14 =	simm.s32 $0x3080;
	s15 =	simm.s32 $0x3880;
	s16 =	simm.s32 $0x4080  }
0x6: {  	s17 =	simm.s32 $0x4880;
	s18 =	simm.s32 $0x5080;
	s19 =	simm.s32 $0x5880  }
0x7: {  	p0 =	por $0x0, $0x0;
	s28 =	simm.s32 $0x7080;
	s30 =	simm.s32 $0x7880  }
0x8: {  	s29 =	simm.s32 $0x1;
	s1 =	sand.u32 $0x1, s1;
	s2 =	sshll.u32 s0, $0x5  }
0x9: {  	s7 =	sadd.s32 $0x200, s3;
	s6 =	sshll.u32 s1, $0x4;
	s1 =	ssub.s32 $0x2, s1  }
0xa: {  	s8 =	sadd.s32 $0x300, s3;
	s9 =	sadd.s32 $0x400, s3;
	s25 =	sshrl.u32 s1, $0x1  }
0xb: {  	s10 =	sadd.s32 $0x500, s3;
	s11 =	sadd.s32 $0x600, s3;
	s1 =	ssub.s32 s1, s25  }
0xc: {  	s12 =	sadd.s32 $0x700, s3;
	s13 =	sor.u32 s6, s2;
	s1 =	smax.u32 s1, $0x1  }
0xd: {  	s2 =	simm.s32 $0x0;
	s6 =	sshrl.u32 s13, $0x3;
	p1 =	sne.s32 s1, $0x1  }
.Ltmp0:
0xe: {  	[smem:$0x7FF] =	sst s2;
	s26 =	sshll.u32 s13, $0x8;
	(pc) =	sbr.rel @!p1 .LBB2_3-.Ltmp0, $4  }
0xf: {  	s13 =	simm.s32 $0x80;
	s25 =	simm.s32 $0x6080;
	s4 =	sadd.s32 s6, s4  }
0x10: {  	v2 =	vlaneseq.u32;
	_ =	strace $0x80000047;
	s6 =	sadd.s32 $0x100, s3;
	s4 =	sadd.s32 $0x10A00, s4  }
0x11: {  	vm0 =	vmmov $0xffff;
	v0 =	vshrl.u32 v2, $0x3;
	s5 =	sadd.s32 s5, s26;
	s26 =	simm.s32 $0x6880;
	[dreg:$0x4] =	wrdreg s4  }
0x12: {  	v1 =	vand.u32 $0x7, v2;
	v2 =	vor.u32 $0x8, v2;
	v0 =	vmul.u32 $0x8, v0;
	s31 =	sadd.s32 $0xFFFFFFFF, s1;
	s4 =	simm.s32 $0x2;
	s1 =	rddreg [dreg:$0x4]  }
0x13: {  	[tilespmem:s2], [sflag:$0x2] =	stream.linear.gather [hbm4b:s1+s2], $0x10, $0x38;
	[tilespmem:$0x8080] =	vst v63  }
0x14: {  	_ =	swait.ge [sflag:s4], $0x10  }
0x15: {  	[sflag:s4] =	ssyncset.done $0x0  }
0x16: {  	[sflag:s4] =	ssyncadd.s32 $0xFFFFFFF0  }
0x17: {  	v3 =	vld [tilespmem:$0x0];
	_ =	sdelay $0x4  }
0x18: {  	v4 =	vshll.u32 v3, $0x4  }
0x19: {  	v3 =	vand.u32 $0x7, v3;
	v4 =	vand.u32 $0xFFFFFF80, v4  }
0x1a: {  	v3 =	vor.u32 v3, v4  }
0x1b: {  	v4 =	vperm.xlane v3, v1;
	_ =	sdelay $0x1  }
0x1c: {  	v4 =	vadd.s32 v0, v4;
	_ =	sdelay $0x4  }
0x1d: {  	[tilespmem:s13], [sflag:$0x1] =	stream.indirect_vreg.gather [hbm4b:s3+s2], $0x80, v4, vm0, $0xb8;
	[tilespmem:$0x8080] =	vst v63  }
0x1e: {  	_ = 	snop  }
0x1f: {  	[tilespmem:s21], [sflag:$0x1] =	stream.indirect_vreg.gather [hbm4b:s6+s2], $0x80, v4, vm0, $0xb8;
	[tilespmem:$0x8080] =	vst v63  }
0x20: {  	_ = 	snop  }
0x21: {  	[tilespmem:s22], [sflag:$0x1] =	stream.indirect_vreg.gather [hbm4b:s7+s2], $0x80, v4, vm0, $0xb8;
	[tilespmem:$0x8080] =	vst v63  }
0x22: {  	_ = 	snop  }
0x23: {  	[tilespmem:s23], [sflag:$0x1] =	stream.indirect_vreg.gather [hbm4b:s8+s2], $0x80, v4, vm0, $0xb8;
	[tilespmem:$0x8080] =	vst v63  }
0x24: {  	_ = 	snop  }
0x25: {  	[tilespmem:s24], [sflag:$0x1] =	stream.indirect_vreg.gather [hbm4b:s9+s2], $0x80, v4, vm0, $0xb8;
	[tilespmem:$0x8080] =	vst v63  }
0x26: {  	v3 =	vperm.xlane v3, v2  }
0x27: {  	[tilespmem:s20], [sflag:$0x1] =	stream.indirect_vreg.gather [hbm4b:s10+s2], $0x80, v4, vm0, $0xb8;
	[tilespmem:$0x8080] =	vst v63  }
0x28: {  	v3 =	vadd.s32 v0, v3  }
0x29: {  	[tilespmem:s14], [sflag:$0x1] =	stream.indirect_vreg.gather [hbm4b:s11+s2], $0x80, v4, vm0, $0xb8;
	[tilespmem:$0x8080] =	vst v63  }
0x2a: {  	_ = 	snop  }
0x2b: {  	[tilespmem:s15], [sflag:$0x1] =	stream.indirect_vreg.gather [hbm4b:s12+s2], $0x80, v4, vm0, $0xb8;
	[tilespmem:$0x8080] =	vst v63  }
0x2c: {  	_ = 	snop  }
0x2d: {  	[tilespmem:s16], [sflag:$0x1] =	stream.indirect_vreg.gather [hbm4b:s3+s2], $0x80, v3, vm0, $0xb8;
	[tilespmem:$0x8080] =	vst v63  }
0x2e: {  	_ = 	snop  }
0x2f: {  	[tilespmem:s17], [sflag:$0x1] =	stream.indirect_vreg.gather [hbm4b:s6+s2], $0x80, v3, vm0, $0xb8;
	[tilespmem:$0x8080] =	vst v63  }
0x30: {  	_ = 	snop  }
0x31: {  	[tilespmem:s18], [sflag:$0x1] =	stream.indirect_vreg.gather [hbm4b:s7+s2], $0x80, v3, vm0, $0xb8;
	[tilespmem:$0x8080] =	vst v63  }
0x32: {  	_ = 	snop  }
0x33: {  	[tilespmem:s19], [sflag:$0x1] =	stream.indirect_vreg.gather [hbm4b:s8+s2], $0x80, v3, vm0, $0xb8;
	[tilespmem:$0x8080] =	vst v63  }
0x34: {  	_ = 	snop  }
0x35: {  	[tilespmem:s25], [sflag:$0x1] =	stream.indirect_vreg.gather [hbm4b:s9+s2], $0x80, v3, vm0, $0xb8;
	[tilespmem:$0x8080] =	vst v63  }
0x36: {  	_ = 	snop  }
0x37: {  	[tilespmem:s26], [sflag:$0x1] =	stream.indirect_vreg.gather [hbm4b:s10+s2], $0x80, v3, vm0, $0xb8;
	[tilespmem:$0x8080] =	vst v63  }
0x38: {  	_ = 	snop  }
0x39: {  	[tilespmem:s28], [sflag:$0x1] =	stream.indirect_vreg.gather [hbm4b:s11+s2], $0x80, v3, vm0, $0xb8;
	[tilespmem:$0x8080] =	vst v63  }
0x3a: {  	_ = 	snop  }
0x3b: {  	[tilespmem:s30], [sflag:$0x1] =	stream.indirect_vreg.gather [hbm4b:s12+s2], $0x80, v3, vm0, $0xb8;
	[tilespmem:$0x8080] =	vst v63  }
0x3c: {  	p1 =	sne.s32 s31, $0x1;
	_ =	swait.ge [sflag:s29], $0x8000  }
.Ltmp1:
0x3d: {  	[sflag:s29] =	ssyncset.done $0x0;
	(pc) =	sbr.rel @!p1 .LBB2_3-.Ltmp1, $4  }
0x3e: {  	[sflag:s29] =	ssyncadd.s32 $0xFFFF8000  }
0x3f: {  	[hbm4b:s5+s2] =	stream.linear.scatter [tilespmem:s13], [sflag:$0x2], $0x8000, $0x38;
	[tilespmem:$0x8080] =	vst v63  }
0x40: {  	s31 =	sadd.s32 $0xFFFFFFFF, s31;
	_ =	swait.ge [sflag:s4], $0x8000  }
0x41: {  	p0 =	por $0x1, $0x1;
	s1 =	rddreg [dreg:$0x4];
	[sflag:s4] =	ssyncset.done $0x0  }
.LBB2_2:
0x42: {  	[sflag:s4] =	ssyncadd.s32 $0xFFFF8000  }
0x43: {  	[tilespmem:s2], [sflag:$0x2] =	stream.linear.gather [hbm4b:s1+s2], $0x10, $0x38;
	[tilespmem:$0x8080] =	vst v63  }
0x44: {  	_ =	swait.ge [sflag:s4], $0x10  }
0x45: {  	[sflag:s4] =	ssyncset.done $0x0  }
0x46: {  	[sflag:s4] =	ssyncadd.s32 $0xFFFFFFF0  }
0x47: {  	v3 =	vld [tilespmem:$0x0];
	_ =	sdelay $0x4  }
0x48: {  	v4 =	vshll.u32 v3, $0x4  }
0x49: {  	v3 =	vand.u32 $0x7, v3;
	v4 =	vand.u32 $0xFFFFFF80, v4  }
0x4a: {  	v3 =	vor.u32 v3, v4  }
0x4b: {  	v4 =	vperm.xlane v3, v1;
	_ =	sdelay $0x1  }
0x4c: {  	v4 =	vadd.s32 v0, v4;
	_ =	sdelay $0x4  }
0x4d: {  	[tilespmem:s13], [sflag:$0x1] =	stream.indirect_vreg.gather [hbm4b:s3+s2], $0x80, v4, vm0, $0xb8;
	[tilespmem:$0x8080] =	vst v63  }
0x4e: {  	_ = 	snop  }
0x4f: {  	[tilespmem:s21], [sflag:$0x1] =	stream.indirect_vreg.gather [hbm4b:s6+s2], $0x80, v4, vm0, $0xb8;
	[tilespmem:$0x8080] =	vst v63  }
0x50: {  	_ = 	snop  }
0x51: {  	[tilespmem:s22], [sflag:$0x1] =	stream.indirect_vreg.gather [hbm4b:s7+s2], $0x80, v4, vm0, $0xb8;
	[tilespmem:$0x8080] =	vst v63  }
0x52: {  	_ = 	snop  }
0x53: {  	[tilespmem:s23], [sflag:$0x1] =	stream.indirect_vreg.gather [hbm4b:s8+s2], $0x80, v4, vm0, $0xb8;
	[tilespmem:$0x8080] =	vst v63  }
0x54: {  	_ = 	snop  }
0x55: {  	[tilespmem:s24], [sflag:$0x1] =	stream.indirect_vreg.gather [hbm4b:s9+s2], $0x80, v4, vm0, $0xb8;
	[tilespmem:$0x8080] =	vst v63  }
0x56: {  	v3 =	vperm.xlane v3, v2  }
0x57: {  	[tilespmem:s20], [sflag:$0x1] =	stream.indirect_vreg.gather [hbm4b:s10+s2], $0x80, v4, vm0, $0xb8;
	[tilespmem:$0x8080] =	vst v63  }
0x58: {  	v3 =	vadd.s32 v0, v3  }
0x59: {  	[tilespmem:s14], [sflag:$0x1] =	stream.indirect_vreg.gather [hbm4b:s11+s2], $0x80, v4, vm0, $0xb8;
	[tilespmem:$0x8080] =	vst v63  }
0x5a: {  	_ = 	snop  }
0x5b: {  	[tilespmem:s15], [sflag:$0x1] =	stream.indirect_vreg.gather [hbm4b:s12+s2], $0x80, v4, vm0, $0xb8;
	[tilespmem:$0x8080] =	vst v63  }
0x5c: {  	_ = 	snop  }
0x5d: {  	[tilespmem:s16], [sflag:$0x1] =	stream.indirect_vreg.gather [hbm4b:s3+s2], $0x80, v3, vm0, $0xb8;
	[tilespmem:$0x8080] =	vst v63  }
0x5e: {  	_ = 	snop  }
0x5f: {  	[tilespmem:s17], [sflag:$0x1] =	stream.indirect_vreg.gather [hbm4b:s6+s2], $0x80, v3, vm0, $0xb8;
	[tilespmem:$0x8080] =	vst v63  }
0x60: {  	_ = 	snop  }
0x61: {  	[tilespmem:s18], [sflag:$0x1] =	stream.indirect_vreg.gather [hbm4b:s7+s2], $0x80, v3, vm0, $0xb8;
	[tilespmem:$0x8080] =	vst v63  }
0x62: {  	_ = 	snop  }
0x63: {  	[tilespmem:s19], [sflag:$0x1] =	stream.indirect_vreg.gather [hbm4b:s8+s2], $0x80, v3, vm0, $0xb8;
	[tilespmem:$0x8080] =	vst v63  }
0x64: {  	_ = 	snop  }
0x65: {  	[tilespmem:s25], [sflag:$0x1] =	stream.indirect_vreg.gather [hbm4b:s9+s2], $0x80, v3, vm0, $0xb8;
	[tilespmem:$0x8080] =	vst v63  }
0x66: {  	_ = 	snop  }
0x67: {  	[tilespmem:s26], [sflag:$0x1] =	stream.indirect_vreg.gather [hbm4b:s10+s2], $0x80, v3, vm0, $0xb8;
	[tilespmem:$0x8080] =	vst v63  }
0x68: {  	_ = 	snop  }
0x69: {  	[tilespmem:s28], [sflag:$0x1] =	stream.indirect_vreg.gather [hbm4b:s11+s2], $0x80, v3, vm0, $0xb8;
	[tilespmem:$0x8080] =	vst v63  }
0x6a: {  	_ = 	snop  }
0x6b: {  	[tilespmem:s30], [sflag:$0x1] =	stream.indirect_vreg.gather [hbm4b:s12+s2], $0x80, v3, vm0, $0xb8;
	[tilespmem:$0x8080] =	vst v63  }
0x6c: {  	p1 =	sne.s32 s31, $0x1;
	_ =	swait.ge [sflag:s29], $0x8000  }
.Ltmp2:
0x6d: {  	[sflag:s29] =	ssyncset.done $0x0;
	(pc) =	sbr.rel @p1 .LBB2_2-.Ltmp2, $4  }
0x6e: {  	[sflag:s29] =	ssyncadd.s32 $0xFFFF8000  }
0x6f: {  	[hbm4b:s5+s2] =	stream.linear.scatter [tilespmem:s13], [sflag:$0x2], $0x8000, $0x38;
	[tilespmem:$0x8080] =	vst v63  }
0x70: {  	_ =	swait.ge [sflag:s4], $0x8000  }
0x71: {  	s31 =	sadd.s32 $0xFFFFFFFF, s31;
	s1 =	rddreg [dreg:$0x4];
	[sflag:s4] =	ssyncset.done $0x0  }
.LBB2_3:
0x72: {  	[sflag:s4] =	ssyncadd.s32 @p0 $0xFFFF8000  }
0x73: {  	[tilespmem:s2], [sflag:$0x2] =	stream.linear.gather [hbm4b:s1+s2], $0x10, $0x38;
	[tilespmem:$0x8080] =	vst v63  }
0x74: {  	_ =	swait.ge [sflag:s4], $0x10  }
0x75: {  	[sflag:s4] =	ssyncset.done $0x0  }
0x76: {  	[sflag:s4] =	ssyncadd.s32 $0xFFFFFFF0  }
0x77: {  	v3 =	vld [tilespmem:$0x0];
	_ =	sdelay $0x4  }
0x78: {  	v4 =	vshll.u32 v3, $0x4  }
0x79: {  	v3 =	vand.u32 $0x7, v3;
	v4 =	vand.u32 $0xFFFFFF80, v4  }
0x7a: {  	v3 =	vor.u32 v3, v4  }
0x7b: {  	v1 =	vperm.xlane v3, v1;
	_ =	sdelay $0x1  }
0x7c: {  	v1 =	vadd.s32 v0, v1;
	_ =	sdelay $0x4  }
0x7d: {  	[tilespmem:s13], [sflag:$0x1] =	stream.indirect_vreg.gather [hbm4b:s3+s2], $0x80, v1, vm0, $0xb8;
	[tilespmem:$0x8080] =	vst v63  }
0x7e: {  	_ = 	snop  }
0x7f: {  	[tilespmem:s21], [sflag:$0x1] =	stream.indirect_vreg.gather [hbm4b:s6+s2], $0x80, v1, vm0, $0xb8;
	[tilespmem:$0x8080] =	vst v63  }
0x80: {  	_ = 	snop  }
0x81: {  	[tilespmem:s22], [sflag:$0x1] =	stream.indirect_vreg.gather [hbm4b:s7+s2], $0x80, v1, vm0, $0xb8;
	[tilespmem:$0x8080] =	vst v63  }
0x82: {  	_ = 	snop  }
0x83: {  	[tilespmem:s23], [sflag:$0x1] =	stream.indirect_vreg.gather [hbm4b:s8+s2], $0x80, v1, vm0, $0xb8;
	[tilespmem:$0x8080] =	vst v63  }
0x84: {  	_ = 	snop  }
0x85: {  	[tilespmem:s24], [sflag:$0x1] =	stream.indirect_vreg.gather [hbm4b:s9+s2], $0x80, v1, vm0, $0xb8;
	[tilespmem:$0x8080] =	vst v63  }
0x86: {  	v2 =	vperm.xlane v3, v2  }
0x87: {  	[tilespmem:s20], [sflag:$0x1] =	stream.indirect_vreg.gather [hbm4b:s10+s2], $0x80, v1, vm0, $0xb8;
	[tilespmem:$0x8080] =	vst v63  }
0x88: {  	v63 =	vadd.s32 v0, v2  }
0x89: {  	[tilespmem:s14], [sflag:$0x1] =	stream.indirect_vreg.gather [hbm4b:s11+s2], $0x80, v1, vm0, $0xb8;
	[tilespmem:$0x8080] =	vst v63  }
0x8a: {  	_ = 	snop  }
0x8b: {  	[tilespmem:s15], [sflag:$0x1] =	stream.indirect_vreg.gather [hbm4b:s12+s2], $0x80, v1, vm0, $0xb8;
	[tilespmem:$0x8080] =	vst v63  }
0x8c: {  	_ = 	snop  }
0x8d: {  	[tilespmem:s16], [sflag:$0x1] =	stream.indirect_vreg.gather [hbm4b:s3+s2], $0x80, v63, vm0, $0xb8;
	[tilespmem:$0x8080] =	vst v63  }
0x8e: {  	_ = 	snop  }
0x8f: {  	[tilespmem:s17], [sflag:$0x1] =	stream.indirect_vreg.gather [hbm4b:s6+s2], $0x80, v63, vm0, $0xb8;
	[tilespmem:$0x8080] =	vst v63  }
0x90: {  	_ = 	snop  }
0x91: {  	[tilespmem:s18], [sflag:$0x1] =	stream.indirect_vreg.gather [hbm4b:s7+s2], $0x80, v63, vm0, $0xb8;
	[tilespmem:$0x8080] =	vst v63  }
0x92: {  	_ = 	snop  }
0x93: {  	[tilespmem:s19], [sflag:$0x1] =	stream.indirect_vreg.gather [hbm4b:s8+s2], $0x80, v63, vm0, $0xb8;
	[tilespmem:$0x8080] =	vst v63  }
0x94: {  	_ = 	snop  }
0x95: {  	[tilespmem:s25], [sflag:$0x1] =	stream.indirect_vreg.gather [hbm4b:s9+s2], $0x80, v63, vm0, $0xb8;
	[tilespmem:$0x8080] =	vst v63  }
0x96: {  	_ = 	snop  }
0x97: {  	[tilespmem:s26], [sflag:$0x1] =	stream.indirect_vreg.gather [hbm4b:s10+s2], $0x80, v63, vm0, $0xb8;
	[tilespmem:$0x8080] =	vst v63  }
0x98: {  	_ = 	snop  }
0x99: {  	[tilespmem:s28], [sflag:$0x1] =	stream.indirect_vreg.gather [hbm4b:s11+s2], $0x80, v63, vm0, $0xb8;
	[tilespmem:$0x8080] =	vst v63  }
0x9a: {  	_ = 	snop  }
0x9b: {  	[tilespmem:s30], [sflag:$0x1] =	stream.indirect_vreg.gather [hbm4b:s12+s2], $0x80, v63, vm0, $0xb8;
	[tilespmem:$0x8080] =	vst v63  }
0x9c: {  	_ =	swait.ge [sflag:s29], $0x8000  }
0x9d: {  	[sflag:s29] =	ssyncset.done $0x0  }
0x9e: {  	[sflag:s29] =	ssyncadd.s32 $0xFFFF8000  }
0x9f: {  	[hbm4b:s5+s2] =	stream.linear.scatter [tilespmem:s13], [sflag:$0x2], $0x8000, $0x38;
	[tilespmem:$0x8080] =	vst v63  }
0xa0: {  	_ =	swait.ge [sflag:s4], $0x8000  }
0xa1: {  	[sflag:s4] =	ssyncset.done $0x0  }
0xa2: {  	[sflag:s4] =	ssyncadd.s32 $0xFFFF8000  }
0xa3: {  	_ =	sfence.sel $0x180000  }
0xa4: {  	[bflag:$0x0] =	sbarrier.arrive $0xFFFF  }
0xa5: {  	_ =	strace $0x90000047  }
0xa6: {  	[bflag:$0x2] =	sbarrier.arrive $0xFFFF  }
0xa7: {  	p0 =	sne.s32 s0, $0x0;
	s0 =	rddreg [dreg:$0x3]  }
0xa8: {  	s0 =	sadd.s32 @!p0 $0x100000, s0  }
0xa9: {  	[sflag:s0] =	ssyncadd.tile.s32 @!p0 $0x1;
	_ =	shalt  }
.Lfunc_end2:
_tile_overlayer_lowered:
.L_overlay_start_2:
0xaa: {  	(tag) =	ssettag $0x2  }
0xab: {  	s0 =	rddreg [dreg:$0x0];
	s2 =	stileid.u32  }
0xac: {  	s1 =	rddreg [dreg:$0x1];
	p0 =	sne.s32 s2, $0x0  }
0xad: {  	s3 =	rddreg [dreg:$0x2];
	[bflag:$0x3] =	sbarrier.arrive $0xFFFF;
	s2 =	simm.s32 @!p0 $0x1C02  }
0xae: {  	[timem:s3], [sflag:s2] =	dma.local @!p0 [hbm:s0], s1  }
0xaf: {  	s0 =	simm.s32 @!p0 $0x2  }
0xb0: {  	_ =	swait.ge @!p0 [sflag:s0], s1  }
0xb1: {  	s1 =	ssub.s32 @!p0 $0x0, s1;
	[sflag:s0] =	ssyncset.done @!p0 $0x0  }
0xb2: {  	[sflag:s0] =	ssyncadd.s32 @!p0 s1  }
0xb3: {  	[bflag:$0x3] =	sbarrier.arrive $0xFFFF  }
0xb4: {  	_ =	shalt  }

</sc_bundles>
